<compile_context>
chip_gen: v7x
topology: tpu7x:2x2x1
jax: 0.10.2.dev20260603
libtpu: 0.0.44.dev20260713+nightly
codegen_flags: <defaults>
</compile_context>

<pallas_src>
import functools

import numpy as np
import jax
import jax.numpy as jnp
from jax import lax
from jax.experimental import pallas as pl
from jax.experimental.pallas import tpu as pltpu
from jax.experimental.pallas import tpu_sc as plsc

_N = 10000
_E = 320000
_D = 128

_NW = 32
_EPW = 10240
_EPAD = _NW * _EPW
_G = 128
_GPW = _EPW // _G
_CH = 1024
_GPC = _CH // _G
_NCH = _EPW // _CH
_NPAD = 10240

_ROWS_PER_SUB = _NPAD // 16


def _edge_mlp_body(m_ref, w1t_ref, b1_ref, w2c_ref, b2_ref, o_ref):
    a = jnp.dot(m_ref[...], w1t_ref[...], preferred_element_type=jnp.float32)
    a = a + b1_ref[...]
    a = a * lax.logistic(a)
    o_ref[...] = (
        jnp.dot(a, w2c_ref[...], preferred_element_type=jnp.float32) + b2_ref[...]
    )


def _edge_w(m_ij, W1, b1, W2, b2):
    BE = 2560
    return pl.pallas_call(
        _edge_mlp_body,
        grid=(_E // BE,),
        in_specs=[
            pl.BlockSpec((BE, _D), lambda i: (i, 0)),
            pl.BlockSpec((_D, _D), lambda i: (0, 0)),
            pl.BlockSpec((1, _D), lambda i: (0, 0)),
            pl.BlockSpec((_D, 1), lambda i: (0, 0)),
            pl.BlockSpec((1, 1), lambda i: (0, 0)),
        ],
        out_specs=pl.BlockSpec((BE, 1), lambda i: (i, 0)),
        out_shape=jax.ShapeDtypeStruct((_E, 1), jnp.float32),
    )(m_ij, W1.T, b1.reshape(1, _D), W2.T, b2.reshape(1, 1))


def _sc_scatter(xflat, src_pad, w_pad, dst3, zeros8):
    mesh = plsc.VectorSubcoreMesh(core_axis_name="c", subcore_axis_name="s")

    @functools.partial(
        pl.kernel,
        mesh=mesh,
        compiler_params=pltpu.CompilerParams(
            needs_layout_passes=False, use_tc_tiling_on_sc=False),
        out_type=jax.ShapeDtypeStruct((2, _NPAD, 8), jnp.float32),
        scratch_types=[
            pltpu.VMEM((3 * _N,), jnp.float32),
            pltpu.VMEM((_EPW,), jnp.int32),
            pltpu.VMEM((_EPW,), jnp.float32),
            pltpu.VMEM((_GPW, _G), jnp.int32),
            pltpu.VMEM((_CH, 8), jnp.float32),
            pltpu.VMEM_SHARED((_NPAD, 8), jnp.float32),
        ],
    )
    def k(x_hbm, src_hbm, w_hbm, dst_hbm, z_hbm, out_hbm,
          x_v, src_v, w_v, dst_v, vals_v, acc_sh):
        c = lax.axis_index("c")
        s = lax.axis_index("s")
        wid = s * 2 + c
        base = wid * _EPW

        pltpu.sync_copy(z_hbm.at[pl.ds(0, _ROWS_PER_SUB)],
                        acc_sh.at[pl.ds(s * _ROWS_PER_SUB, _ROWS_PER_SUB)])
        pltpu.sync_copy(z_hbm, vals_v)
        pltpu.sync_copy(x_hbm, x_v)
        pltpu.sync_copy(src_hbm.at[pl.ds(base, _EPW)], src_v)
        pltpu.sync_copy(w_hbm.at[pl.ds(base, _EPW)], w_v)
        pltpu.sync_copy(dst_hbm.at[wid], dst_v)
        plsc.subcore_barrier()

        iota16 = lax.iota(jnp.int32, 16)
        onesf = jnp.ones((16,), jnp.float32)
        col0 = jnp.full((16,), 0, jnp.int32)
        col1 = jnp.full((16,), 1, jnp.int32)
        col2 = jnp.full((16,), 2, jnp.int32)
        col3 = jnp.full((16,), 3, jnp.int32)
        col4 = jnp.full((16,), 4, jnp.int32)

        def chunk_body(ci, carry):
            off = ci * _CH

            def grp(g, carry2):
                e0 = off + g * 16
                src16 = src_v[pl.ds(e0, 16)]
                w16 = w_v[pl.ds(e0, 16)]
                row = g * 16 + iota16
                xs0 = plsc.load_gather(x_v, [src16])
                xs1 = plsc.load_gather(x_v, [src16 + _N])
                xs2 = plsc.load_gather(x_v, [src16 + 2 * _N])
                plsc.store_scatter(vals_v, [row, col0], xs0 * w16)
                plsc.store_scatter(vals_v, [row, col1], xs1 * w16)
                plsc.store_scatter(vals_v, [row, col2], xs2 * w16)
                plsc.store_scatter(vals_v, [row, col3], w16)
                plsc.store_scatter(vals_v, [row, col4], onesf)
                return carry2

            lax.fori_loop(0, _CH // 16, grp, 0)

            def scat(g2, carry3):
                pltpu.sync_copy(vals_v.at[pl.ds(g2 * _G, _G)],
                                acc_sh.at[dst_v.at[ci * _GPC + g2]],
                                add=True)
                return carry3

            lax.fori_loop(0, _GPC, scat, 0)
            return carry

        lax.fori_loop(0, _NCH, chunk_body, 0)
        plsc.subcore_barrier()
        pltpu.sync_copy(acc_sh.at[pl.ds(s * _ROWS_PER_SUB, _ROWS_PER_SUB)],
                        out_hbm.at[c, pl.ds(s * _ROWS_PER_SUB, _ROWS_PER_SUB)])

    return k(xflat, src_pad, w_pad, dst3, zeros8)


def _final_body(h_ref, g1t_ref, gb1_ref, g2r_ref, gb2r_ref, v15_ref, t_ref,
                x3_ref, s0_ref, s1_ref, o_ref):
    a = jnp.dot(h_ref[...], g1t_ref[...], preferred_element_type=jnp.float32)
    a = a + gb1_ref[...]
    a = a * lax.logistic(a)
    ar = jnp.dot(a, g2r_ref[...], preferred_element_type=jnp.float32)
    ar = ar + gb2r_ref[...]
    prod = ar * v15_ref[...]
    vc = jnp.dot(prod, t_ref[...], preferred_element_type=jnp.float32)
    S = s0_ref[...] + s1_ref[...]
    cnt = jnp.maximum(S[:, 4:5], 1.0)
    geom = (S[:, 0:3] - x3_ref[...] * S[:, 3:4]) / cnt
    o_ref[...] = vc + geom


_TMAT = np.zeros((15, 3), dtype=np.float32)
for _k in range(5):
    for _j in range(3):
        _TMAT[3 * _k + _j, _j] = 1.0


def _final(h, G1, gb1, G2, gb2, vel15, x, S0, S1):
    BN = 2000
    g2rep = jnp.repeat(G2.T, 3, axis=1)
    gb2rep = jnp.repeat(gb2, 3).reshape(1, 15)
    tmat = jnp.asarray(_TMAT)
    return pl.pallas_call(
        _final_body,
        grid=(_N // BN,),
        in_specs=[
            pl.BlockSpec((BN, _D), lambda i: (i, 0)),
            pl.BlockSpec((_D, _D), lambda i: (0, 0)),
            pl.BlockSpec((1, _D), lambda i: (0, 0)),
            pl.BlockSpec((_D, 15), lambda i: (0, 0)),
            pl.BlockSpec((1, 15), lambda i: (0, 0)),
            pl.BlockSpec((BN, 15), lambda i: (i, 0)),
            pl.BlockSpec((15, 3), lambda i: (0, 0)),
            pl.BlockSpec((BN, 3), lambda i: (i, 0)),
            pl.BlockSpec((BN, 8), lambda i: (i, 0)),
            pl.BlockSpec((BN, 8), lambda i: (i, 0)),
        ],
        out_specs=pl.BlockSpec((BN, 3), lambda i: (i, 0)),
        out_shape=jax.ShapeDtypeStruct((_N, 3), jnp.float32),
    )(h, G1.T, gb1.reshape(1, _D), g2rep, gb2rep, vel15, tmat, x, S0, S1)


def kernel(h, m_ij, x, vel_all, edge_index, W1, b1, W2, b2, G1, gb1, G2, gb2):
    w_e = _edge_w(m_ij, W1, b1, W2, b2)

    src = edge_index[0]
    dst = edge_index[1]
    pad = _EPAD - _E
    src_pad = jnp.concatenate([src, jnp.zeros((pad,), jnp.int32)])
    dst_pad = jnp.concatenate([dst, jnp.full((pad,), _N, jnp.int32)])
    w_pad = jnp.concatenate([w_e[:, 0], jnp.zeros((pad,), jnp.float32)])
    dst3 = dst_pad.reshape(_NW, _GPW, _G)
    xflat = x.T.reshape(-1)
    zeros8 = jnp.zeros((_CH, 8), jnp.float32)

    S_sc = _sc_scatter(xflat, src_pad, w_pad, dst3, zeros8)
    S0 = S_sc[0, :_N]
    S1 = S_sc[1, :_N]

    vel15 = vel_all.reshape(_N, 15)
    return _final(h, G1, gb1, G2, gb2, vel15, x, S0, S1)

# --- scband reference (transcript-rebuilt; emitter-appended) ---
"""Pipeline reference for scband-equivariant-decoder-18580028522964 (READ-ONLY COPY).

The authoritative reference and input builder live on the scoring server;
editing this copy changes nothing except your own understanding.
"""

import jax, jax.numpy as jnp
import numpy as np

N = 10000
E = 320000
D = 128

def setup_inputs(seed: int = 0):
    key = jax.random.key(seed)
    ks = jax.random.split(key, 16)
    h = jax.random.normal(ks[0], (N, D), dtype=jnp.float32)
    m_ij = jax.random.normal(ks[1], (E, D), dtype=jnp.float32)
    x = jax.random.normal(ks[2], (N, 3), dtype=jnp.float32)
    vel_all = jax.random.normal(ks[3], (N, 5, 3), dtype=jnp.float32)
    edge_index = jax.random.randint(ks[4], (2, E), 0, N, dtype=jnp.int32)
    s = 1.0 / np.sqrt(D)
    # edge_weight MLP: Linear(D,D) -> SiLU -> Linear(D,1)
    W1 = jax.random.normal(ks[5], (D, D), dtype=jnp.float32) * s
    b1 = jnp.zeros((D,), dtype=jnp.float32)
    W2 = jax.random.normal(ks[6], (1, D), dtype=jnp.float32) * s
    b2 = jnp.zeros((1,), dtype=jnp.float32)
    # vel_gates MLP: Linear(D,D) -> SiLU -> Linear(D,5)
    G1 = jax.random.normal(ks[7], (D, D), dtype=jnp.float32) * s
    gb1 = jnp.zeros((D,), dtype=jnp.float32)
    G2 = jax.random.normal(ks[8], (5, D), dtype=jnp.float32) * s
    gb2 = jnp.zeros((5,), dtype=jnp.float32)
    return {"h": h, "m_ij": m_ij, "x": x, "vel_all": vel_all, "edge_index": edge_index,
            "W1": W1, "b1": b1, "W2": W2, "b2": b2,
            "G1": G1, "gb1": gb1, "G2": G2, "gb2": gb2}

def reference(h, m_ij, x, vel_all, edge_index, W1, b1, W2, b2, G1, gb1, G2, gb2):
    src = edge_index[0]
    dst = edge_index[1]
    rel = x[src] - x[dst]                                  # [E, 3] gather
    w = jax.nn.silu(m_ij @ W1.T + b1) @ W2.T + b2          # [E, 1]
    vals = rel * w                                         # [E, 3]
    n = h.shape[0]
    sums = jax.ops.segment_sum(vals, dst, num_segments=n)  # scatter-add [N, 3]
    counts = jax.ops.segment_sum(jnp.ones((dst.shape[0],), dtype=jnp.float32), dst, num_segments=n)
    geom_delta = sums / jnp.clip(counts, 1.0, None)[:, None]  # scatter_mean
    alpha = (jax.nn.silu(h @ G1.T + gb1) @ G2.T + gb2)[..., None]  # [N, 5, 1]
    vel_combo = (alpha * vel_all).sum(axis=1)              # [N, 3]
    return vel_combo + geom_delta

if __name__ == "__main__":
    import jax
    _d = setup_inputs()
    print(jax.jit(kernel)(*tuple(_d.values())))

</pallas_src>

<mosaic_0001>
#map = affine_map<(d0, d1) -> (0)>
#map1 = affine_map<(d0, d1) -> (0, 0, 0)>
#map2 = affine_map<(d0, d1) -> (0, 0)>
module attributes {stable_mosaic.version = 14 : i64} {
  func.func @k(%arg0: i32, %arg1: i32, %arg2: memref<30000xf32, #tpu.memory_space<hbm>>, %arg3: memref<327680xi32, #tpu.memory_space<hbm>>, %arg4: memref<327680xf32, #tpu.memory_space<hbm>>, %arg5: memref<32x80x128xi32, #tpu.memory_space<hbm>>, %arg6: memref<1024x8xf32, #tpu.memory_space<hbm>>, %arg7: memref<2x10240x8xf32, #tpu.memory_space<hbm>>, %arg8: memref<30000xf32, #tpu.memory_space<vmem>>, %arg9: memref<10240xi32, #tpu.memory_space<vmem>>, %arg10: memref<10240xf32, #tpu.memory_space<vmem>>, %arg11: memref<80x128xi32, #tpu.memory_space<vmem>>, %arg12: memref<1024x8xf32, #tpu.memory_space<vmem>>, %arg13: memref<10240x8xf32, #tpu.memory_space<vmem_shared>>) attributes {dimension_semantics = [#tpu.dimension_semantics<core_parallel>, #tpu.dimension_semantics<subcore_parallel>], iteration_bounds = array<i64: 2, 16>, scalar_prefetch = 0 : i64, scratch_operands = 6 : i64, tpu.core_type = #tpu.core_type<sc_vector_subcore>, window_params = [{transform_indices = #map}, {transform_indices = #map}, {transform_indices = #map}, {transform_indices = #map1}, {transform_indices = #map2}, {transform_indices = #map1}]} {
    %mul3A = arith.constant 2 : i32
    %mul3A_0 = arith.muli %arg1, %mul3A : i32
    %add3A = arith.addi %mul3A_0, %arg0 : i32
    %mul3A_1 = arith.constant 10240 : i32
    %mul3A_2 = arith.muli %add3A, %mul3A_1 : i32
    %mul3A_3 = arith.constant 640 : i32
    %mul3A_4 = arith.muli %arg1, %mul3A_3 : i32
    "tpu.region"() ({
      %run_scoped3A = tpu.sem_alloc : memref<!tpu.dma_semaphore, #tpu.memory_space<semaphore_mem>>
      %dma_start3A = arith.constant 0 : i32
      %dma_start3A_26 = tpu.memref_slice %arg13[%mul3A_4, %dma_start3A] : memref<10240x8xf32, #tpu.memory_space<vmem_shared>> -> memref<640x8xf32, #tpu.memory_space<vmem_shared>>
      %dma_start3A_27 = arith.constant 0 : i32
      %dma_start3A_28 = arith.constant 0 : i32
      %dma_start3A_29 = tpu.memref_slice %arg6[%dma_start3A_27, %dma_start3A_28] : memref<1024x8xf32, #tpu.memory_space<hbm>> -> memref<640x8xf32, #tpu.memory_space<hbm>>
      tpu.enqueue_dma source(%dma_start3A_29 : memref<640x8xf32, #tpu.memory_space<hbm>>) target(%dma_start3A_26 : memref<640x8xf32, #tpu.memory_space<vmem_shared>>) target_semaphore(%run_scoped3A : memref<!tpu.dma_semaphore, #tpu.memory_space<semaphore_mem>>)
      %dma_wait3A = arith.constant 0 : i32
      %dma_wait3A_30 = tpu.memref_slice %arg13[%mul3A_4, %dma_wait3A] : memref<10240x8xf32, #tpu.memory_space<vmem_shared>> -> memref<640x8xf32, #tpu.memory_space<vmem_shared>>
      %dma_wait3A_31 = arith.constant 0 : i32
      %dma_wait3A_32 = arith.constant 0 : i32
      %dma_wait3A_33 = tpu.memref_slice %arg6[%dma_wait3A_31, %dma_wait3A_32] : memref<1024x8xf32, #tpu.memory_space<hbm>> -> memref<640x8xf32, #tpu.memory_space<hbm>>
      tpu.wait_dma2 semaphore(%run_scoped3A : memref<!tpu.dma_semaphore, #tpu.memory_space<semaphore_mem>>) src(%dma_wait3A_33 : memref<640x8xf32, #tpu.memory_space<hbm>>) dst(%dma_wait3A_30 : memref<640x8xf32, #tpu.memory_space<vmem_shared>>)
      tpu.yield
    }) : () -> ()
    "tpu.region"() ({
      %run_scoped3A = tpu.sem_alloc : memref<!tpu.dma_semaphore, #tpu.memory_space<semaphore_mem>>
      tpu.enqueue_dma source(%arg6 : memref<1024x8xf32, #tpu.memory_space<hbm>>) target(%arg12 : memref<1024x8xf32, #tpu.memory_space<vmem>>) target_semaphore(%run_scoped3A : memref<!tpu.dma_semaphore, #tpu.memory_space<semaphore_mem>>)
      tpu.wait_dma2 semaphore(%run_scoped3A : memref<!tpu.dma_semaphore, #tpu.memory_space<semaphore_mem>>) src(%arg6 : memref<1024x8xf32, #tpu.memory_space<hbm>>) dst(%arg12 : memref<1024x8xf32, #tpu.memory_space<vmem>>)
      tpu.yield
    }) : () -> ()
    "tpu.region"() ({
      %run_scoped3A = tpu.sem_alloc : memref<!tpu.dma_semaphore, #tpu.memory_space<semaphore_mem>>
      tpu.enqueue_dma source(%arg2 : memref<30000xf32, #tpu.memory_space<hbm>>) target(%arg8 : memref<30000xf32, #tpu.memory_space<vmem>>) target_semaphore(%run_scoped3A : memref<!tpu.dma_semaphore, #tpu.memory_space<semaphore_mem>>)
      tpu.wait_dma2 semaphore(%run_scoped3A : memref<!tpu.dma_semaphore, #tpu.memory_space<semaphore_mem>>) src(%arg2 : memref<30000xf32, #tpu.memory_space<hbm>>) dst(%arg8 : memref<30000xf32, #tpu.memory_space<vmem>>)
      tpu.yield
    }) : () -> ()
    "tpu.region"() ({
      %run_scoped3A = tpu.sem_alloc : memref<!tpu.dma_semaphore, #tpu.memory_space<semaphore_mem>>
      %dma_start3A = tpu.memref_slice %arg3[%mul3A_2] : memref<327680xi32, #tpu.memory_space<hbm>> -> memref<10240xi32, #tpu.memory_space<hbm>>
      %dma_start3A_26 = tpu.memref_slice %arg3[%mul3A_2] : memref<327680xi32, #tpu.memory_space<hbm>> -> memref<10240xi32, #tpu.memory_space<hbm>>
      tpu.enqueue_dma source(%dma_start3A_26 : memref<10240xi32, #tpu.memory_space<hbm>>) target(%arg9 : memref<10240xi32, #tpu.memory_space<vmem>>) target_semaphore(%run_scoped3A : memref<!tpu.dma_semaphore, #tpu.memory_space<semaphore_mem>>)
      %dma_wait3A = tpu.memref_slice %arg3[%mul3A_2] : memref<327680xi32, #tpu.memory_space<hbm>> -> memref<10240xi32, #tpu.memory_space<hbm>>
      %dma_wait3A_27 = tpu.memref_slice %arg3[%mul3A_2] : memref<327680xi32, #tpu.memory_space<hbm>> -> memref<10240xi32, #tpu.memory_space<hbm>>
      tpu.wait_dma2 semaphore(%run_scoped3A : memref<!tpu.dma_semaphore, #tpu.memory_space<semaphore_mem>>) src(%dma_wait3A_27 : memref<10240xi32, #tpu.memory_space<hbm>>) dst(%arg9 : memref<10240xi32, #tpu.memory_space<vmem>>)
      tpu.yield
    }) : () -> ()
    "tpu.region"() ({
      %run_scoped3A = tpu.sem_alloc : memref<!tpu.dma_semaphore, #tpu.memory_space<semaphore_mem>>
      %dma_start3A = tpu.memref_slice %arg4[%mul3A_2] : memref<327680xf32, #tpu.memory_space<hbm>> -> memref<10240xf32, #tpu.memory_space<hbm>>
      %dma_start3A_26 = tpu.memref_slice %arg4[%mul3A_2] : memref<327680xf32, #tpu.memory_space<hbm>> -> memref<10240xf32, #tpu.memory_space<hbm>>
      tpu.enqueue_dma source(%dma_start3A_26 : memref<10240xf32, #tpu.memory_space<hbm>>) target(%arg10 : memref<10240xf32, #tpu.memory_space<vmem>>) target_semaphore(%run_scoped3A : memref<!tpu.dma_semaphore, #tpu.memory_space<semaphore_mem>>)
      %dma_wait3A = tpu.memref_slice %arg4[%mul3A_2] : memref<327680xf32, #tpu.memory_space<hbm>> -> memref<10240xf32, #tpu.memory_space<hbm>>
      %dma_wait3A_27 = tpu.memref_slice %arg4[%mul3A_2] : memref<327680xf32, #tpu.memory_space<hbm>> -> memref<10240xf32, #tpu.memory_space<hbm>>
      tpu.wait_dma2 semaphore(%run_scoped3A : memref<!tpu.dma_semaphore, #tpu.memory_space<semaphore_mem>>) src(%dma_wait3A_27 : memref<10240xf32, #tpu.memory_space<hbm>>) dst(%arg10 : memref<10240xf32, #tpu.memory_space<vmem>>)
      tpu.yield
    }) : () -> ()
    "tpu.region"() ({
      %run_scoped3A = tpu.sem_alloc : memref<!tpu.dma_semaphore, #tpu.memory_space<semaphore_mem>>
      %dma_start3A = arith.constant 0 : i32
      %dma_start3A_26 = arith.constant 0 : i32
      %dma_start3A_27 = tpu.memref_slice %arg5[%add3A, %dma_start3A, %dma_start3A_26] : memref<32x80x128xi32, #tpu.memory_space<hbm>> -> memref<1x80x128xi32, #tpu.memory_space<hbm>>
      %dma_start3A_28 = tpu.memref_squeeze %dma_start3A_27 : memref<1x80x128xi32, #tpu.memory_space<hbm>> -> memref<80x128xi32, #tpu.memory_space<hbm>>
      %dma_start3A_29 = arith.constant 0 : i32
      %dma_start3A_30 = arith.constant 0 : i32
      %dma_start3A_31 = tpu.memref_slice %arg5[%add3A, %dma_start3A_29, %dma_start3A_30] : memref<32x80x128xi32, #tpu.memory_space<hbm>> -> memref<1x80x128xi32, #tpu.memory_space<hbm>>
      %dma_start3A_32 = tpu.memref_squeeze %dma_start3A_31 : memref<1x80x128xi32, #tpu.memory_space<hbm>> -> memref<80x128xi32, #tpu.memory_space<hbm>>
      tpu.enqueue_dma source(%dma_start3A_32 : memref<80x128xi32, #tpu.memory_space<hbm>>) target(%arg11 : memref<80x128xi32, #tpu.memory_space<vmem>>) target_semaphore(%run_scoped3A : memref<!tpu.dma_semaphore, #tpu.memory_space<semaphore_mem>>)
      %dma_wait3A = arith.constant 0 : i32
      %dma_wait3A_33 = arith.constant 0 : i32
      %dma_wait3A_34 = tpu.memref_slice %arg5[%add3A, %dma_wait3A, %dma_wait3A_33] : memref<32x80x128xi32, #tpu.memory_space<hbm>> -> memref<1x80x128xi32, #tpu.memory_space<hbm>>
      %dma_wait3A_35 = tpu.memref_squeeze %dma_wait3A_34 : memref<1x80x128xi32, #tpu.memory_space<hbm>> -> memref<80x128xi32, #tpu.memory_space<hbm>>
      %dma_wait3A_36 = arith.constant 0 : i32
      %dma_wait3A_37 = arith.constant 0 : i32
      %dma_wait3A_38 = tpu.memref_slice %arg5[%add3A, %dma_wait3A_36, %dma_wait3A_37] : memref<32x80x128xi32, #tpu.memory_space<hbm>> -> memref<1x80x128xi32, #tpu.memory_space<hbm>>
      %dma_wait3A_39 = tpu.memref_squeeze %dma_wait3A_38 : memref<1x80x128xi32, #tpu.memory_space<hbm>> -> memref<80x128xi32, #tpu.memory_space<hbm>>
      tpu.wait_dma2 semaphore(%run_scoped3A : memref<!tpu.dma_semaphore, #tpu.memory_space<semaphore_mem>>) src(%dma_wait3A_39 : memref<80x128xi32, #tpu.memory_space<hbm>>) dst(%arg11 : memref<80x128xi32, #tpu.memory_space<vmem>>)
      tpu.yield
    }) : () -> ()
    %barrier3A = arith.constant 0 : index
    tpu.barrier barrier_id(%barrier3A)
    %iota3A = tpu.iota {dimensions = array<i32: 0>} : vector<16xi32>
    %broadcast_in_dim3A = arith.constant 1.000000e+00 : f32
    %broadcast_in_dim3A_5 = vector.broadcast %broadcast_in_dim3A : f32 to vector<16xf32>
    %broadcast_in_dim3A_6 = arith.constant 0 : i32
    %broadcast_in_dim3A_7 = vector.broadcast %broadcast_in_dim3A_6 : i32 to vector<16xi32>
    %broadcast_in_dim3A_8 = arith.constant 1 : i32
    %broadcast_in_dim3A_9 = vector.broadcast %broadcast_in_dim3A_8 : i32 to vector<16xi32>
    %broadcast_in_dim3A_10 = arith.constant 2 : i32
    %broadcast_in_dim3A_11 = vector.broadcast %broadcast_in_dim3A_10 : i32 to vector<16xi32>
    %broadcast_in_dim3A_12 = arith.constant 3 : i32
    %broadcast_in_dim3A_13 = vector.broadcast %broadcast_in_dim3A_12 : i32 to vector<16xi32>
    %broadcast_in_dim3A_14 = arith.constant 4 : i32
    %broadcast_in_dim3A_15 = vector.broadcast %broadcast_in_dim3A_14 : i32 to vector<16xi32>
    %scan3A = arith.constant 0 : i32
    %scan3A_16 = arith.constant 0 : i32
    %scan3A_17 = arith.constant 10 : i32
    %scan3A_18 = arith.addi %scan3A_16, %scan3A_17 : i32
    %scan3A_19 = arith.constant 1 : i32
    scf.for %scan3A_26 = %scan3A_16 to %scan3A_18 step %scan3A_19  : i32 {
      %mul3A_27 = arith.constant 1024 : i32
      %mul3A_28 = arith.muli %scan3A_26, %mul3A_27 : i32
      %scan3A_29 = arith.constant 0 : i32
      %scan3A_30 = arith.constant 0 : i32
      %scan3A_31 = arith.constant 64 : i32
      %scan3A_32 = arith.addi %scan3A_30, %scan3A_31 : i32
      %scan3A_33 = arith.constant 1 : i32
      scf.for %scan3A_41 = %scan3A_30 to %scan3A_32 step %scan3A_33  : i32 {
        %mul3A_42 = arith.constant 16 : i32
        %mul3A_43 = arith.muli %scan3A_41, %mul3A_42 : i32
        %add3A_44 = arith.addi %mul3A_28, %mul3A_43 : i32
        %get3A = arith.index_cast %add3A_44 : i32 to index
        %get3A_45 = tpu.vector_load %arg9[%get3A] {strides = array<i32>} : memref<10240xi32, #tpu.memory_space<vmem>>, vector<16xi32>,
        %get3A_46 = arith.index_cast %add3A_44 : i32 to index
        %get3A_47 = tpu.vector_load %arg10[%get3A_46] {strides = array<i32>} : memref<10240xf32, #tpu.memory_space<vmem>>, vector<16xf32>,
        %mul3A_48 = arith.constant 16 : i32
        %mul3A_49 = arith.muli %scan3A_41, %mul3A_48 : i32
        %add3A_50 = vector.broadcast %mul3A_49 : i32 to vector<16xi32>
        %add3A_51 = arith.addi %add3A_50, %iota3A : vector<16xi32>
        %gather3A = tpu.vector_load_idx %arg8[%get3A_45] : memref<30000xf32, #tpu.memory_space<vmem>>[vector<16xi32>], vector<16xf32>,
        %add3A_52 = arith.constant 10000 : i32
        %add3A_53 = vector.broadcast %add3A_52 : i32 to vector<16xi32>
        %add3A_54 = arith.addi %get3A_45, %add3A_53 : vector<16xi32>
        %gather3A_55 = tpu.vector_load_idx %arg8[%add3A_54] : memref<30000xf32, #tpu.memory_space<vmem>>[vector<16xi32>], vector<16xf32>,
        %add3A_56 = arith.constant 20000 : i32
        %add3A_57 = vector.broadcast %add3A_56 : i32 to vector<16xi32>
        %add3A_58 = arith.addi %get3A_45, %add3A_57 : vector<16xi32>
        %gather3A_59 = tpu.vector_load_idx %arg8[%add3A_58] : memref<30000xf32, #tpu.memory_space<vmem>>[vector<16xi32>], vector<16xf32>,
        %mul3A_60 = arith.mulf %gather3A, %get3A_47 : vector<16xf32>
        tpu.vector_store_idx %arg12[%add3A_51, %broadcast_in_dim3A_7], %mul3A_60 : memref<1024x8xf32, #tpu.memory_space<vmem>>[vector<16xi32>, vector<16xi32>], vector<16xf32>,
        %mul3A_61 = arith.mulf %gather3A_55, %get3A_47 : vector<16xf32>
        tpu.vector_store_idx %arg12[%add3A_51, %broadcast_in_dim3A_9], %mul3A_61 : memref<1024x8xf32, #tpu.memory_space<vmem>>[vector<16xi32>, vector<16xi32>], vector<16xf32>,
        %mul3A_62 = arith.mulf %gather3A_59, %get3A_47 : vector<16xf32>
        tpu.vector_store_idx %arg12[%add3A_51, %broadcast_in_dim3A_11], %mul3A_62 : memref<1024x8xf32, #tpu.memory_space<vmem>>[vector<16xi32>, vector<16xi32>], vector<16xf32>,
        tpu.vector_store_idx %arg12[%add3A_51, %broadcast_in_dim3A_13], %get3A_47 : memref<1024x8xf32, #tpu.memory_space<vmem>>[vector<16xi32>, vector<16xi32>], vector<16xf32>,
        tpu.vector_store_idx %arg12[%add3A_51, %broadcast_in_dim3A_15], %broadcast_in_dim3A_5 : memref<1024x8xf32, #tpu.memory_space<vmem>>[vector<16xi32>, vector<16xi32>], vector<16xf32>,
      }
      %scan3A_34 = arith.constant 64 : i32
      %scan3A_35 = arith.constant 0 : i32
      %scan3A_36 = arith.constant 0 : i32
      %scan3A_37 = arith.constant 8 : i32
      %scan3A_38 = arith.addi %scan3A_36, %scan3A_37 : i32
      %scan3A_39 = arith.constant 1 : i32
      scf.for %scan3A_41 = %scan3A_36 to %scan3A_38 step %scan3A_39  : i32 {
        %mul3A_42 = arith.constant 128 : i32
        %mul3A_43 = arith.muli %scan3A_41, %mul3A_42 : i32
        %mul3A_44 = arith.constant 8 : i32
        %mul3A_45 = arith.muli %scan3A_26, %mul3A_44 : i32
        %add3A_46 = arith.addi %mul3A_45, %scan3A_41 : i32
        "tpu.region"() ({
          %run_scoped3A = tpu.sem_alloc : memref<!tpu.dma_semaphore, #tpu.memory_space<semaphore_mem>>
          %dma_start3A = arith.constant 0 : i32
          %dma_start3A_47 = tpu.memref_slice %arg12[%mul3A_43, %dma_start3A] : memref<1024x8xf32, #tpu.memory_space<vmem>> -> memref<128x8xf32, #tpu.memory_space<vmem>>
          %dma_start3A_48 = arith.constant 0 : i32
          %dma_start3A_49 = tpu.memref_slice %arg11[%add3A_46, %dma_start3A_48] : memref<80x128xi32, #tpu.memory_space<vmem>> -> memref<1x128xi32, #tpu.memory_space<vmem>>
          %dma_start3A_50 = tpu.memref_squeeze %dma_start3A_49 : memref<1x128xi32, #tpu.memory_space<vmem>> -> memref<128xi32, #tpu.memory_space<vmem>>
          %dma_start3A_51 = arith.constant 0 : i32
          %dma_start3A_52 = arith.constant 0 : i32
          %dma_start3A_53 = tpu.memref_slice %arg13[%dma_start3A_51, %dma_start3A_52] : memref<10240x8xf32, #tpu.memory_space<vmem_shared>> -> memref<10240x8xf32, #tpu.memory_space<vmem_shared>>
          tpu.enqueue_indirect_dma source(%dma_start3A_47 : memref<128x8xf32, #tpu.memory_space<vmem>>) target(%dma_start3A_53 : memref<10240x8xf32, #tpu.memory_space<vmem_shared>>) offsets(%dma_start3A_50 : memref<128xi32, #tpu.memory_space<vmem>>) semaphore(%run_scoped3A : memref<!tpu.dma_semaphore, #tpu.memory_space<semaphore_mem>>) {add = true}
          %dma_wait3A = arith.constant 0 : i32
          %dma_wait3A_54 = tpu.memref_slice %arg12[%mul3A_43, %dma_wait3A] : memref<1024x8xf32, #tpu.memory_space<vmem>> -> memref<128x8xf32, #tpu.memory_space<vmem>>
          %dma_wait3A_55 = arith.constant 0 : i32
          %dma_wait3A_56 = tpu.memref_slice %arg11[%add3A_46, %dma_wait3A_55] : memref<80x128xi32, #tpu.memory_space<vmem>> -> memref<1x128xi32, #tpu.memory_space<vmem>>
          %dma_wait3A_57 = tpu.memref_squeeze %dma_wait3A_56 : memref<1x128xi32, #tpu.memory_space<vmem>> -> memref<128xi32, #tpu.memory_space<vmem>>
          %dma_wait3A_58 = arith.constant 0 : i32
          %dma_wait3A_59 = arith.constant 0 : i32
          %dma_wait3A_60 = tpu.memref_slice %arg13[%dma_wait3A_58, %dma_wait3A_59] : memref<10240x8xf32, #tpu.memory_space<vmem_shared>> -> memref<10240x8xf32, #tpu.memory_space<vmem_shared>>
          tpu.wait_indirect_dma semaphore(%run_scoped3A : memref<!tpu.dma_semaphore, #tpu.memory_space<semaphore_mem>>) src(%dma_wait3A_54 : memref<128x8xf32, #tpu.memory_space<vmem>>) dst(%dma_wait3A_60 : memref<10240x8xf32, #tpu.memory_space<vmem_shared>>)
          tpu.yield
        }) : () -> ()
      }
      %scan3A_40 = arith.constant 8 : i32
    }
    %scan3A_20 = arith.constant 10 : i32
    %barrier3A_21 = arith.constant 0 : index
    tpu.barrier barrier_id(%barrier3A_21)
    %mul3A_22 = arith.constant 640 : i32
    %mul3A_23 = arith.muli %arg1, %mul3A_22 : i32
    %mul3A_24 = arith.constant 640 : i32
    %mul3A_25 = arith.muli %arg1, %mul3A_24 : i32
    "tpu.region"() ({
      %run_scoped3A = tpu.sem_alloc : memref<!tpu.dma_semaphore, #tpu.memory_space<semaphore_mem>>
      %dma_start3A = arith.constant 0 : i32
      %dma_start3A_26 = tpu.memref_slice %arg7[%arg0, %mul3A_25, %dma_start3A] : memref<2x10240x8xf32, #tpu.memory_space<hbm>> -> memref<1x640x8xf32, #tpu.memory_space<hbm>>
      %dma_start3A_27 = tpu.memref_squeeze %dma_start3A_26 : memref<1x640x8xf32, #tpu.memory_space<hbm>> -> memref<640x8xf32, #tpu.memory_space<hbm>>
      %dma_start3A_28 = arith.constant 0 : i32
      %dma_start3A_29 = tpu.memref_slice %arg13[%mul3A_23, %dma_start3A_28] : memref<10240x8xf32, #tpu.memory_space<vmem_shared>> -> memref<640x8xf32, #tpu.memory_space<vmem_shared>>
      tpu.enqueue_dma source(%dma_start3A_29 : memref<640x8xf32, #tpu.memory_space<vmem_shared>>) target(%dma_start3A_27 : memref<640x8xf32, #tpu.memory_space<hbm>>) target_semaphore(%run_scoped3A : memref<!tpu.dma_semaphore, #tpu.memory_space<semaphore_mem>>)
      %dma_wait3A = arith.constant 0 : i32
      %dma_wait3A_30 = tpu.memref_slice %arg7[%arg0, %mul3A_25, %dma_wait3A] : memref<2x10240x8xf32, #tpu.memory_space<hbm>> -> memref<1x640x8xf32, #tpu.memory_space<hbm>>
      %dma_wait3A_31 = tpu.memref_squeeze %dma_wait3A_30 : memref<1x640x8xf32, #tpu.memory_space<hbm>> -> memref<640x8xf32, #tpu.memory_space<hbm>>
      %dma_wait3A_32 = arith.constant 0 : i32
      %dma_wait3A_33 = tpu.memref_slice %arg13[%mul3A_23, %dma_wait3A_32] : memref<10240x8xf32, #tpu.memory_space<vmem_shared>> -> memref<640x8xf32, #tpu.memory_space<vmem_shared>>
      tpu.wait_dma2 semaphore(%run_scoped3A : memref<!tpu.dma_semaphore, #tpu.memory_space<semaphore_mem>>) src(%dma_wait3A_33 : memref<640x8xf32, #tpu.memory_space<vmem_shared>>) dst(%dma_wait3A_31 : memref<640x8xf32, #tpu.memory_space<hbm>>)
      tpu.yield
    }) : () -> ()
    return
  }
}

module attributes {stable_mosaic.version = 14 : i64} {
  func.func @_edge_mlp_body(%arg0: i32, %arg1: memref<2560x128xf32, #tpu.memory_space<vmem>>, %arg2: memref<128x128xf32, #tpu.memory_space<vmem>>, %arg3: memref<1x128xf32, #tpu.memory_space<vmem>>, %arg4: memref<128x1xf32, #tpu.memory_space<vmem>>, %arg5: memref<1x1xf32, #tpu.memory_space<vmem>>, %arg6: memref<2560x1xf32, #tpu.memory_space<vmem>>) attributes {dimension_semantics = [#tpu.dimension_semantics<arbitrary>], iteration_bounds = array<i64: 125>, scalar_prefetch = 0 : i64, scratch_operands = 0 : i64, tpu.core_type = #tpu.core_type<tc>, window_params = [{transform_indices = @transform_0, window_bounds = array<i64: 2560, 128>}, {pipeline_mode = #tpu.pipeline_mode<synchronous>, transform_indices = @transform_1, window_bounds = array<i64: 128, 128>}, {pipeline_mode = #tpu.pipeline_mode<synchronous>, transform_indices = @transform_2, window_bounds = array<i64: 1, 128>}, {pipeline_mode = #tpu.pipeline_mode<synchronous>, transform_indices = @transform_3, window_bounds = array<i64: 128, 1>}, {pipeline_mode = #tpu.pipeline_mode<synchronous>, transform_indices = @transform_4, window_bounds = array<i64: 1, 1>}, {transform_indices = @transform_5, window_bounds = array<i64: 2560, 1>}]} {
    %get3A = arith.constant 0 : index
    %get3A_0 = arith.constant 0 : index
    %get3A_1 = vector.load %arg1[%get3A, %get3A_0] : memref<2560x128xf32, #tpu.memory_space<vmem>>, vector<2560x128xf32>
    %get3A_2 = arith.constant 0 : index
    %get3A_3 = arith.constant 0 : index
    %get3A_4 = vector.load %arg2[%get3A_2, %get3A_3] : memref<128x128xf32, #tpu.memory_space<vmem>>, vector<128x128xf32>
    %dot_general3A = arith.constant dense<0.000000e+00> : vector<2560x128xf32>
    %dot_general3A_5 = tpu.matmul %get3A_1, %get3A_4, %dot_general3A {dimension_numbers = #tpu.dot_dimension_numbers<[1], [0], [0], [1], [0, 0, 1, 1], [], []>, transpose_lhs_hint = false} : vector<2560x128xf32>, vector<128x128xf32>, vector<2560x128xf32> -> vector<2560x128xf32>
    %get3A_6 = arith.constant 0 : index
    %get3A_7 = arith.constant 0 : index
    %get3A_8 = vector.load %arg3[%get3A_6, %get3A_7] : memref<1x128xf32, #tpu.memory_space<vmem>>, vector<1x128xf32>
    %add3A = vector.broadcast %get3A_8 : vector<1x128xf32> to vector<2560x128xf32>
    %add3A_9 = arith.addf %dot_general3A_5, %add3A : vector<2560x128xf32>
    %logistic3A = arith.negf %add3A_9 : vector<2560x128xf32>
    %logistic3A_10 = math.exp %logistic3A : vector<2560x128xf32>
    %logistic3A_11 = arith.constant 1.000000e+00 : f32
    %logistic3A_12 = vector.broadcast %logistic3A_11 : f32 to vector<2560x128xf32>
    %logistic3A_13 = arith.addf %logistic3A_12, %logistic3A_10 : vector<2560x128xf32>
    %logistic3A_14 = arith.divf %logistic3A_12, %logistic3A_13 : vector<2560x128xf32>
    %mul3A = arith.mulf %add3A_9, %logistic3A_14 : vector<2560x128xf32>
    %get3A_15 = arith.constant 0 : index
    %get3A_16 = arith.constant 0 : index
    %get3A_17 = vector.load %arg4[%get3A_15, %get3A_16] : memref<128x1xf32, #tpu.memory_space<vmem>>, vector<128x1xf32>
    %dot_general3A_18 = arith.constant dense<0.000000e+00> : vector<2560x1xf32>
    %dot_general3A_19 = tpu.matmul %mul3A, %get3A_17, %dot_general3A_18 {dimension_numbers = #tpu.dot_dimension_numbers<[1], [0], [0], [1], [0, 0, 1, 1], [], []>, transpose_lhs_hint = false} : vector<2560x128xf32>, vector<128x1xf32>, vector<2560x1xf32> -> vector<2560x1xf32>
    %get3A_20 = arith.constant 0 : index
    %get3A_21 = arith.constant 0 : index
    %get3A_22 = vector.load %arg5[%get3A_20, %get3A_21] : memref<1x1xf32, #tpu.memory_space<vmem>>, vector<1x1xf32>
    %add3A_23 = vector.broadcast %get3A_22 : vector<1x1xf32> to vector<2560x1xf32>
    %add3A_24 = arith.addf %dot_general3A_19, %add3A_23 : vector<2560x1xf32>
    %swap3A = arith.constant 0 : index
    %swap3A_25 = arith.constant 0 : index
    %swap3A_26 = vector.load %arg6[%swap3A, %swap3A_25] : memref<2560x1xf32, #tpu.memory_space<vmem>>, vector<2560x1xf32>
    tpu.vector_store %arg6[%swap3A, %swap3A_25], %add3A_24 {strides = array<i32>} : memref<2560x1xf32, #tpu.memory_space<vmem>>, vector<2560x1xf32>,
    return
  }
  func.func @transform_0(%arg0: i32) -> (i32, i32) {
    %c0_i32 = arith.constant 0 : i32
    %c0_i32_0 = arith.constant 0 : i32
    return %arg0, %c0_i32 : i32, i32
  }
  func.func @transform_1(%arg0: i32) -> (i32, i32) {
    %c0_i32 = arith.constant 0 : i32
    %c0_i32_0 = arith.constant 0 : i32
    %c0_i32_1 = arith.constant 0 : i32
    return %c0_i32, %c0_i32_0 : i32, i32
  }
  func.func @transform_2(%arg0: i32) -> (i32, i32) {
    %c0_i32 = arith.constant 0 : i32
    %c0_i32_0 = arith.constant 0 : i32
    %c0_i32_1 = arith.constant 0 : i32
    return %c0_i32, %c0_i32_0 : i32, i32
  }
  func.func @transform_3(%arg0: i32) -> (i32, i32) {
    %c0_i32 = arith.constant 0 : i32
    %c0_i32_0 = arith.constant 0 : i32
    %c0_i32_1 = arith.constant 0 : i32
    return %c0_i32, %c0_i32_0 : i32, i32
  }
  func.func @transform_4(%arg0: i32) -> (i32, i32) {
    %c0_i32 = arith.constant 0 : i32
    %c0_i32_0 = arith.constant 0 : i32
    %c0_i32_1 = arith.constant 0 : i32
    return %c0_i32, %c0_i32_0 : i32, i32
  }
  func.func @transform_5(%arg0: i32) -> (i32, i32) {
    %c0_i32 = arith.constant 0 : i32
    %c0_i32_0 = arith.constant 0 : i32
    return %arg0, %c0_i32 : i32, i32
  }
}

module attributes {stable_mosaic.version = 14 : i64} {
  func.func @_final_body(%arg0: i32, %arg1: memref<2000x128xf32, #tpu.memory_space<vmem>>, %arg2: memref<128x128xf32, #tpu.memory_space<vmem>>, %arg3: memref<1x128xf32, #tpu.memory_space<vmem>>, %arg4: memref<128x15xf32, #tpu.memory_space<vmem>>, %arg5: memref<1x15xf32, #tpu.memory_space<vmem>>, %arg6: memref<2000x15xf32, #tpu.memory_space<vmem>>, %arg7: memref<15x3xf32, #tpu.memory_space<vmem>>, %arg8: memref<2000x3xf32, #tpu.memory_space<vmem>>, %arg9: memref<2000x8xf32, #tpu.memory_space<vmem>>, %arg10: memref<2000x8xf32, #tpu.memory_space<vmem>>, %arg11: memref<2000x3xf32, #tpu.memory_space<vmem>>) attributes {dimension_semantics = [#tpu.dimension_semantics<arbitrary>], iteration_bounds = array<i64: 5>, scalar_prefetch = 0 : i64, scratch_operands = 0 : i64, tpu.core_type = #tpu.core_type<tc>, window_params = [{transform_indices = @transform_0, window_bounds = array<i64: 2000, 128>}, {pipeline_mode = #tpu.pipeline_mode<synchronous>, transform_indices = @transform_1, window_bounds = array<i64: 128, 128>}, {pipeline_mode = #tpu.pipeline_mode<synchronous>, transform_indices = @transform_2, window_bounds = array<i64: 1, 128>}, {pipeline_mode = #tpu.pipeline_mode<synchronous>, transform_indices = @transform_3, window_bounds = array<i64: 128, 15>}, {pipeline_mode = #tpu.pipeline_mode<synchronous>, transform_indices = @transform_4, window_bounds = array<i64: 1, 15>}, {transform_indices = @transform_5, window_bounds = array<i64: 2000, 15>}, {pipeline_mode = #tpu.pipeline_mode<synchronous>, transform_indices = @transform_6, window_bounds = array<i64: 15, 3>}, {transform_indices = @transform_7, window_bounds = array<i64: 2000, 3>}, {transform_indices = @transform_8, window_bounds = array<i64: 2000, 8>}, {transform_indices = @transform_9, window_bounds = array<i64: 2000, 8>}, {transform_indices = @transform_10, window_bounds = array<i64: 2000, 3>}]} {
    %get3A = arith.constant 0 : index
    %get3A_0 = arith.constant 0 : index
    %get3A_1 = vector.load %arg1[%get3A, %get3A_0] : memref<2000x128xf32, #tpu.memory_space<vmem>>, vector<2000x128xf32>
    %get3A_2 = arith.constant 0 : index
    %get3A_3 = arith.constant 0 : index
    %get3A_4 = vector.load %arg2[%get3A_2, %get3A_3] : memref<128x128xf32, #tpu.memory_space<vmem>>, vector<128x128xf32>
    %dot_general3A = arith.constant dense<0.000000e+00> : vector<2000x128xf32>
    %dot_general3A_5 = tpu.matmul %get3A_1, %get3A_4, %dot_general3A {dimension_numbers = #tpu.dot_dimension_numbers<[1], [0], [0], [1], [0, 0, 1, 1], [], []>, transpose_lhs_hint = false} : vector<2000x128xf32>, vector<128x128xf32>, vector<2000x128xf32> -> vector<2000x128xf32>
    %get3A_6 = arith.constant 0 : index
    %get3A_7 = arith.constant 0 : index
    %get3A_8 = vector.load %arg3[%get3A_6, %get3A_7] : memref<1x128xf32, #tpu.memory_space<vmem>>, vector<1x128xf32>
    %add3A = vector.broadcast %get3A_8 : vector<1x128xf32> to vector<2000x128xf32>
    %add3A_9 = arith.addf %dot_general3A_5, %add3A : vector<2000x128xf32>
    %logistic3A = arith.negf %add3A_9 : vector<2000x128xf32>
    %logistic3A_10 = math.exp %logistic3A : vector<2000x128xf32>
    %logistic3A_11 = arith.constant 1.000000e+00 : f32
    %logistic3A_12 = vector.broadcast %logistic3A_11 : f32 to vector<2000x128xf32>
    %logistic3A_13 = arith.addf %logistic3A_12, %logistic3A_10 : vector<2000x128xf32>
    %logistic3A_14 = arith.divf %logistic3A_12, %logistic3A_13 : vector<2000x128xf32>
    %mul3A = arith.mulf %add3A_9, %logistic3A_14 : vector<2000x128xf32>
    %get3A_15 = arith.constant 0 : index
    %get3A_16 = arith.constant 0 : index
    %get3A_17 = vector.load %arg4[%get3A_15, %get3A_16] : memref<128x15xf32, #tpu.memory_space<vmem>>, vector<128x15xf32>
    %dot_general3A_18 = arith.constant dense<0.000000e+00> : vector<2000x15xf32>
    %dot_general3A_19 = tpu.matmul %mul3A, %get3A_17, %dot_general3A_18 {dimension_numbers = #tpu.dot_dimension_numbers<[1], [0], [0], [1], [0, 0, 1, 1], [], []>, transpose_lhs_hint = false} : vector<2000x128xf32>, vector<128x15xf32>, vector<2000x15xf32> -> vector<2000x15xf32>
    %get3A_20 = arith.constant 0 : index
    %get3A_21 = arith.constant 0 : index
    %get3A_22 = vector.load %arg5[%get3A_20, %get3A_21] : memref<1x15xf32, #tpu.memory_space<vmem>>, vector<1x15xf32>
    %add3A_23 = vector.broadcast %get3A_22 : vector<1x15xf32> to vector<2000x15xf32>
    %add3A_24 = arith.addf %dot_general3A_19, %add3A_23 : vector<2000x15xf32>
    %get3A_25 = arith.constant 0 : index
    %get3A_26 = arith.constant 0 : index
    %get3A_27 = vector.load %arg6[%get3A_25, %get3A_26] : memref<2000x15xf32, #tpu.memory_space<vmem>>, vector<2000x15xf32>
    %mul3A_28 = arith.mulf %add3A_24, %get3A_27 : vector<2000x15xf32>
    %get3A_29 = arith.constant 0 : index
    %get3A_30 = arith.constant 0 : index
    %get3A_31 = vector.load %arg7[%get3A_29, %get3A_30] : memref<15x3xf32, #tpu.memory_space<vmem>>, vector<15x3xf32>
    %dot_general3A_32 = arith.constant dense<0.000000e+00> : vector<2000x3xf32>
    %dot_general3A_33 = tpu.matmul %mul3A_28, %get3A_31, %dot_general3A_32 {dimension_numbers = #tpu.dot_dimension_numbers<[1], [0], [0], [1], [0, 0, 1, 1], [], []>, transpose_lhs_hint = false} : vector<2000x15xf32>, vector<15x3xf32>, vector<2000x3xf32> -> vector<2000x3xf32>
    %get3A_34 = arith.constant 0 : index
    %get3A_35 = arith.constant 0 : index
    %get3A_36 = vector.load %arg9[%get3A_34, %get3A_35] : memref<2000x8xf32, #tpu.memory_space<vmem>>, vector<2000x8xf32>
    %get3A_37 = arith.constant 0 : index
    %get3A_38 = arith.constant 0 : index
    %get3A_39 = vector.load %arg10[%get3A_37, %get3A_38] : memref<2000x8xf32, #tpu.memory_space<vmem>>, vector<2000x8xf32>
    %add3A_40 = arith.addf %get3A_36, %get3A_39 : vector<2000x8xf32>
    %slice3A = vector.extract_strided_slice %add3A_40 {offsets = [0, 4], sizes = [2000, 1], strides = [1, 1]} : vector<2000x8xf32> to vector<2000x1xf32>
    %max3A = arith.constant 1.000000e+00 : f32
    %max3A_41 = vector.broadcast %max3A : f32 to vector<2000x1xf32>
    %max3A_42 = arith.maximumf %slice3A, %max3A_41 : vector<2000x1xf32>
    %slice3A_43 = vector.extract_strided_slice %add3A_40 {offsets = [0, 0], sizes = [2000, 3], strides = [1, 1]} : vector<2000x8xf32> to vector<2000x3xf32>
    %get3A_44 = arith.constant 0 : index
    %get3A_45 = arith.constant 0 : index
    %get3A_46 = vector.load %arg8[%get3A_44, %get3A_45] : memref<2000x3xf32, #tpu.memory_space<vmem>>, vector<2000x3xf32>
    %slice3A_47 = vector.extract_strided_slice %add3A_40 {offsets = [0, 3], sizes = [2000, 1], strides = [1, 1]} : vector<2000x8xf32> to vector<2000x1xf32>
    %mul3A_48 = vector.broadcast %slice3A_47 : vector<2000x1xf32> to vector<2000x3xf32>
    %mul3A_49 = arith.mulf %get3A_46, %mul3A_48 : vector<2000x3xf32>
    %sub3A = arith.subf %slice3A_43, %mul3A_49 : vector<2000x3xf32>
    %div3A = vector.broadcast %max3A_42 : vector<2000x1xf32> to vector<2000x3xf32>
    %div3A_50 = arith.divf %sub3A, %div3A : vector<2000x3xf32>
    %add3A_51 = arith.addf %dot_general3A_33, %div3A_50 : vector<2000x3xf32>
    %swap3A = arith.constant 0 : index
    %swap3A_52 = arith.constant 0 : index
    %swap3A_53 = vector.load %arg11[%swap3A, %swap3A_52] : memref<2000x3xf32, #tpu.memory_space<vmem>>, vector<2000x3xf32>
    tpu.vector_store %arg11[%swap3A, %swap3A_52], %add3A_51 {strides = array<i32>} : memref<2000x3xf32, #tpu.memory_space<vmem>>, vector<2000x3xf32>,
    return
  }
  func.func @transform_0(%arg0: i32) -> (i32, i32) {
    %c0_i32 = arith.constant 0 : i32
    %c0_i32_0 = arith.constant 0 : i32
    return %arg0, %c0_i32 : i32, i32
  }
  func.func @transform_1(%arg0: i32) -> (i32, i32) {
    %c0_i32 = arith.constant 0 : i32
    %c0_i32_0 = arith.constant 0 : i32
    %c0_i32_1 = arith.constant 0 : i32
    return %c0_i32, %c0_i32_0 : i32, i32
  }
  func.func @transform_2(%arg0: i32) -> (i32, i32) {
    %c0_i32 = arith.constant 0 : i32
    %c0_i32_0 = arith.constant 0 : i32
    %c0_i32_1 = arith.constant 0 : i32
    return %c0_i32, %c0_i32_0 : i32, i32
  }
  func.func @transform_3(%arg0: i32) -> (i32, i32) {
    %c0_i32 = arith.constant 0 : i32
    %c0_i32_0 = arith.constant 0 : i32
    %c0_i32_1 = arith.constant 0 : i32
    return %c0_i32, %c0_i32_0 : i32, i32
  }
  func.func @transform_4(%arg0: i32) -> (i32, i32) {
    %c0_i32 = arith.constant 0 : i32
    %c0_i32_0 = arith.constant 0 : i32
    %c0_i32_1 = arith.constant 0 : i32
    return %c0_i32, %c0_i32_0 : i32, i32
  }
  func.func @transform_5(%arg0: i32) -> (i32, i32) {
    %c0_i32 = arith.constant 0 : i32
    %c0_i32_0 = arith.constant 0 : i32
    return %arg0, %c0_i32 : i32, i32
  }
  func.func @transform_6(%arg0: i32) -> (i32, i32) {
    %c0_i32 = arith.constant 0 : i32
    %c0_i32_0 = arith.constant 0 : i32
    %c0_i32_1 = arith.constant 0 : i32
    return %c0_i32, %c0_i32_0 : i32, i32
  }
  func.func @transform_7(%arg0: i32) -> (i32, i32) {
    %c0_i32 = arith.constant 0 : i32
    %c0_i32_0 = arith.constant 0 : i32
    return %arg0, %c0_i32 : i32, i32
  }
  func.func @transform_8(%arg0: i32) -> (i32, i32) {
    %c0_i32 = arith.constant 0 : i32
    %c0_i32_0 = arith.constant 0 : i32
    return %arg0, %c0_i32 : i32, i32
  }
  func.func @transform_9(%arg0: i32) -> (i32, i32) {
    %c0_i32 = arith.constant 0 : i32
    %c0_i32_0 = arith.constant 0 : i32
    return %arg0, %c0_i32 : i32, i32
  }
  func.func @transform_10(%arg0: i32) -> (i32, i32) {
    %c0_i32 = arith.constant 0 : i32
    %c0_i32_0 = arith.constant 0 : i32
    return %arg0, %c0_i32 : i32, i32
  }
}

</mosaic_0001>

<sc_bundles>
// kernel: kernel.5.cloned.1.call-start
scs
__scs_entry_jumppad:
0x0: {  	(pc) =	sbr.rel $0x88, $3  }
0x1: {  	(tag) =	ssettag $0x0;
	lr =	simm.s32 $0x1  }
0x2: {  	[smem:$0x3F94] =	sst lr;
	_ =	strace $0xD0000000  }
0x3: {  	_ = 	snop  }
0x4: {  	_ = 	snop  }
0x5: {  	_ = 	snop  }
0x6: {  	_ = 	snop  }
0x7: {  	_ = 	snop  }
__scs_overlays_trampoline_lowered:
0x8: {  	[smem:$0x3FA3] =	sst s0  }
0x9: {  	[smem:$0x3FA4] =	sst s1  }
0xa: {  	[smem:$0x3FA5] =	sst s2  }
0xb: {  	[smem:$0x3FA6] =	sst s3  }
0xc: {  	[smem:$0x3FA7] =	sst s4  }
0xd: {  	[smem:$0x3FA8] =	sst s5  }
0xe: {  	[smem:$0x3FA9] =	sst s6  }
0xf: {  	[smem:$0x3FAA] =	sst s7  }
0x10: {  	[smem:$0x3FAB] =	sst s8  }
0x11: {  	[smem:$0x3FAC] =	sst s9;
	s0 =	simm.s32 @!p0 $0x0  }
0x12: {  	s1 =	sld [smem:$0x3F92];
	s0 =	simm.s32 @p0 $0x1  }
0x13: {  	[smem:$0x3FAD] =	sst s0;
	s0 =	simm.s32 @!p1 $0x0  }
0x14: {  	s2 =	sld [smem:$0x3F91];
	s0 =	simm.s32 @p1 $0x1  }
0x15: {  	[smem:$0x3FAE] =	sst s0;
	s0 =	simm.s32 @!p2 $0x0  }
0x16: {  	s3 =	sld [smem:$0x3FDB];
	s0 =	simm.s32 @p2 $0x1  }
0x17: {  	s4 =	simm.s32 $0x1BF5;
	[smem:$0x3FB0] =	sst s0  }
0x18: {  	s0 =	sld [smem:$0x3F93];
	_ =	swait.ge [sflag:s4], $0x0  }
0x19: {  	s7 =	sld [smem:$0x3F94]  }
0x1a: {  	s8 =	sadd.s32 $0xFFFFE003, lr  }
0x1b: {  	s9 =	sadd.s32 $0xFFFFFEF7, lr;
	s5 =	simm.s32 $0xFFFFFFFF;
	p2 =	slt.u32 s8, $0xFFFFF086  }
0x1c: {  	p1 =	slt.u32 s9, $0xF7A;
	s5 =	simm.s32 @!p2 $0x0  }
0x1d: {  	s5 =	simm.s32 @p1 $0x1;
	p0 =	seq.s32 s7, s2  }
0x1e: {  	s7 =	smul.u32 @!p0 $0xF7A, s2;
	p2 =	seq.s32 @!p0 s5, $0x0  }
0x1f: {  	s9 =	smul.u32 $0xF7A, s1;
	s8 =	simm.s32 @!p0 $0x1BF5;
	p2 =	por !p2, p0  }
0x20: {  	[sflag:s8] =	ssyncset.s32 @!p0 $0xFFFFF086;
	s6 =	sadd.s32 @!p0 s3, s7;
	s7 =	simm.s32 @!p0 $0x108  }
0x21: {  	s3 =	sadd.s32 s3, s9;
	s6 =	sadd.s32 @!p0 $0x88, s6;
	s7 =	simm.s32 @p2 $0x1082  }
0x22: {  	[simem:s7], [sflag:s8] =	dma.local @!p0 [hbm:s6], $0xF7A  }
0x23: {  	s9 =	sor.u32 $0xD0000000, s2;
	s6 =	simm.s32 $0x108;
	_ =	swait.ge @!p0 [sflag:s8], $0x0  }
0x24: {  	s3 =	sadd.s32 $0x88, s3;
	s6 =	simm.s32 @!p1 $0x1082;
	[sflag:s4] =	ssyncset.s32 $0xFFFFF086  }
0x25: {  	[simem:s6], [sflag:s4] =	dma.local [hbm:s3], $0xF7A  }
0x26: {  	[smem:$0x3F94] =	sst s1;
	(tag) =	ssettag s2;
	_ =	strace s9  }
0x27: {  	s1 =	sld [smem:$0x3FA4]  }
0x28: {  	s2 =	sld [smem:$0x3FA5]  }
0x29: {  	s4 =	sld [smem:$0x3FA7]  }
0x2a: {  	p0 =	seq.s32 s5, $0x0;
	s5 =	sld [smem:$0x3FA8]  }
0x2b: {  	s6 =	sld [smem:$0x3FA9]  }
0x2c: {  	s7 =	sld [smem:$0x3FAA]  }
0x2d: {  	s3 =	simm.s32 $0x108;
	s8 =	sld [smem:$0x3FAB]  }
0x2e: {  	s3 =	simm.s32 @!p0 $0x1082;
	s9 =	sld [smem:$0x3FAC]  }
0x2f: {  	lr =	sadd.s32 s0, s3;
	s0 =	sld [smem:$0x3FA3]  }
0x30: {  	s3 =	sld [smem:$0x3FA6]  }
0x31: {  	[smem:$0x3FAF] =	sst s10  }
0x32: {  	s10 =	sld [smem:$0x3FAD];
	_ =	sdelay $0x3  }
0x33: {  	p0 =	seq.s32 s10, $0x1;
	s10 =	sld [smem:$0x3FAF];
	_ =	sdelay $0x3  }
0x34: {  	[smem:$0x3FAF] =	sst s10  }
0x35: {  	s10 =	sld [smem:$0x3FAE];
	_ =	sdelay $0x3  }
0x36: {  	p1 =	seq.s32 s10, $0x1;
	s10 =	sld [smem:$0x3FAF];
	_ =	sdelay $0x3  }
0x37: {  	[smem:$0x3FAF] =	sst s10  }
0x38: {  	s10 =	sld [smem:$0x3FB0]  }
0x39: {  	_ = 	snop;
	(pc) =	sbr.ind lr, $3  }
0x3a: {  	_ = 	snop  }
0x3b: {  	_ = 	snop  }
0x3c: {  	p2 =	seq.s32 s10, $0x1;
	s10 =	sld [smem:$0x3FAF]  }
0x3d: {  	_ =	shalt  }
0x3e: {  	_ =	shalt  }
0x3f: {  	_ =	shalt  }
0x40: {  	_ =	shalt  }
0x41: {  	_ =	shalt  }
0x42: {  	_ =	shalt  }
0x43: {  	_ =	shalt  }
0x44: {  	_ =	shalt  }
0x45: {  	_ =	shalt  }
0x46: {  	_ =	shalt  }
0x47: {  	_ =	shalt  }
0x48: {  	_ =	shalt  }
0x49: {  	_ =	shalt  }
0x4a: {  	_ =	shalt  }
0x4b: {  	_ =	shalt  }
0x4c: {  	_ =	shalt  }
0x4d: {  	_ =	shalt  }
0x4e: {  	_ =	shalt  }
0x4f: {  	_ =	shalt  }
0x50: {  	_ =	shalt  }
0x51: {  	_ =	shalt  }
0x52: {  	_ =	shalt  }
0x53: {  	_ =	shalt  }
0x54: {  	_ =	shalt  }
0x55: {  	_ =	shalt  }
0x56: {  	_ =	shalt  }
0x57: {  	_ =	shalt  }
0x58: {  	_ =	shalt  }
0x59: {  	_ =	shalt  }
0x5a: {  	_ =	shalt  }
0x5b: {  	_ =	shalt  }
0x5c: {  	_ =	shalt  }
0x5d: {  	_ =	shalt  }
0x5e: {  	_ =	shalt  }
0x5f: {  	_ =	shalt  }
0x60: {  	_ =	shalt  }
0x61: {  	_ =	shalt  }
0x62: {  	_ =	shalt  }
0x63: {  	_ =	shalt  }
0x64: {  	_ =	shalt  }
0x65: {  	_ =	shalt  }
0x66: {  	_ =	shalt  }
0x67: {  	_ =	shalt  }
0x68: {  	_ =	shalt  }
0x69: {  	_ =	shalt  }
0x6a: {  	_ =	shalt  }
0x6b: {  	_ =	shalt  }
0x6c: {  	_ =	shalt  }
0x6d: {  	_ =	shalt  }
0x6e: {  	_ =	shalt  }
0x6f: {  	_ =	shalt  }
0x70: {  	_ =	shalt  }
0x71: {  	_ =	shalt  }
0x72: {  	_ =	shalt  }
0x73: {  	_ =	shalt  }
0x74: {  	_ =	shalt  }
0x75: {  	_ =	shalt  }
0x76: {  	_ =	shalt  }
0x77: {  	_ =	shalt  }
0x78: {  	_ =	shalt  }
0x79: {  	_ =	shalt  }
0x7a: {  	_ =	shalt  }
0x7b: {  	_ =	shalt  }
0x7c: {  	_ =	shalt  }
0x7d: {  	_ =	shalt  }
0x7e: {  	_ =	shalt  }
0x7f: {  	_ =	shalt  }
0x80: {  	_ =	shalt  }
0x81: {  	_ =	shalt  }
0x82: {  	_ =	shalt  }
0x83: {  	_ =	shalt  }
0x84: {  	_ =	shalt  }
0x85: {  	_ =	shalt  }
0x86: {  	_ =	shalt  }
0x87: {  	_ =	shalt  }
.Lfunc_end0:
.L_simem_size_0:
called_computation_lowered:
.L_overlay_start_0:
0x88: {  	s2 =	sld [smem:$0x3FD9]  }
0x89: {  	s3 =	sld [smem:$0x3FFE];
	_ =	sdelay $0x1  }
0x8a: {  	s1 =	srdreg.scid  }
0x8b: {  	s0 =	sand.u32 $0x1, s1  }
0x8c: {  	s17 =	sshll.u32 s0, $0xA;
	s2 =	sadd.s32 s3, s2  }
0x8d: {  	s2 =	sadd.s32 s2, s17  }
0x8e: {  	[smem:$0x3FBB] =	sst s2  }
0x8f: {  	_ = 	snop  }
0x90: {  	s2 =	sld [smem:$0x3FD0];
	(tm) =	ssettm $0x1  }
0x91: {  	s18 =	sld [smem:$0x3FFB];
	_ =	sdelay $0x3  }
0x92: {  	_ =	strace s18  }
0x93: {  	s3 =	sld [smem:$0x3FFC];
	_ =	sdelay $0x3  }
0x94: {  	_ =	strace s3  }
0x95: {  	s3 =	sld [smem:$0x3FFD];
	_ =	sdelay $0x3  }
0x96: {  	_ =	strace s3  }
0x97: {  	_ =	strace $0x8FFFFFFF  }
0x98: {  	s19 =	sld [smem:$0x3FDB];
	_ =	sdelay $0x1  }
0x99: {  	s4 =	simm.s32 $_scs_section_size  }
0x9a: {  	s5 =	simm.s32 $_size__tile_overlayer_lowered;
	s6 =	simm.s32 $_tile_overlayer_lowered  }
0x9b: {  	s22 =	simm.s32 $0x1BFF;
	s21 =	sshll.u32 s6, $0x1;
	s3 =	sadd.s32 s4, s19  }
0x9c: {  	s7 =	simm.s32 $0x0;
	s20 =	sshll.u32 s5, $0x1;
	s5 =	sadd.s32 s21, s3  }
0x9d: {  	[timem:s7], [sflag:s22] =	dma.local [hbm:s5], s20  }
0x9e: {  	_ =	swait.ge [sflag:s22], s20  }
0x9f: {  	s4 =	ssub.s32 $0x0, s20;
	[sflag:s22] =	ssyncset.done $0x0  }
0xa0: {  	[sflag:s22] =	ssyncadd.s32 s4;
	_ =	sdelay $0x1  }
0xa1: {  	s23 =	simm.s32 $0x1B8B  }
0xa2: {  	_ =	swait.ge [sflag:s23], $0x1  }
0xa3: {  	[sflag:s23] =	ssyncset.done $0x0  }
0xa4: {  	s25 =	simm.s32 $0x1B8E;
	s24 =	sld [smem:$0x3FFE];
	[sflag:s23] =	ssyncadd.s32 $0xFFFFFFFF  }
0xa5: {  	s26 =	simm.s32 $execute0_lowered;
	[smem:$0x3FD2] =	sst s25  }
0xa6: {  	s5 =	sshll.u32 s26, $0x1;
	_ =	strace $0x80000046;
	[dreg:$0x1] =	wrdreg $0xFFFFFFFF  }
0xa7: {  	s28 =	simm.s32 $_size_execute0_lowered;
	s3 =	sadd.s32 s3, s5;
	[dreg:$0x0] =	wrdreg $0x0  }
0xa8: {  	s5 =	sshll.u32 s28, $0x1;
	[dreg:$0x2] =	wrdreg s3  }
0xa9: {  	[dreg:$0x3] =	wrdreg s5  }
0xaa: {  	[dreg:$0x4] =	wrdreg $0xC0  }
0xab: {  	_ =	task [dreg:s7], $0x5FFFF  }
0xac: {  	[dreg:$0x1] =	wrdreg $0xFFFFFFFF  }
0xad: {  	[dreg:$0x0] =	wrdreg $0x60  }
0xae: {  	[dreg:$0x2] =	wrdreg s2  }
0xaf: {  	[dreg:$0x3] =	wrdreg s24  }
0xb0: {  	[dreg:$0x4] =	wrdreg $0x10D300  }
0xb1: {  	[dreg:$0x5] =	wrdreg $0x9  }
0xb2: {  	_ =	task.clear_ibuf [dreg:s7], $0x6FFFF;
	_ =	strace $0x90000046  }
0xb3: {  	s29 =	simm.s32 $0x9;
	_ =	strace $0x80000048  }
0xb4: {  	_ =	swait.ge [sflag:s29], $0x1  }
0xb5: {  	[sflag:s29] =	ssyncadd.s32 $0xFFFFFFFF  }
0xb6: {  	_ =	strace $0x90000048  }
0xb7: {  	_ =	sfence  }
0xb8: {  	s30 =	sld [smem:$0x0];
	_ =	sdelay $0x2  }
0xb9: {  	s31 =	sshll.u32 s1, $0xD;
	s1 =	sshrl.u32 s1, $0x2  }
0xba: {  	s3 =	sand.u32 $0x4000, s31;
	s1 =	sadd.s32 s1, s30  }
0xbb: {  	s0 =	sor.u32 s3, s0;
	s1 =	sshll.u32 s1, $0x11  }
0xbc: {  	s0 =	sor.u32 s1, s0  }
0xbd: {  	s0 =	sadd.s32 $0x8F2B, s0  }
0xbe: {  	[sflag:s0] =	ssyncadd.remote.s32 $0x1  }
0xbf: {  	_ =	sfence.sel $0xFFFF  }
0xc0: {  	[dreg:$0x0] =	wrdreg $0xFFFFFFFF;
	(pc) =	sbr.abs _section_cstart, $3  }
0xc1: {  	[dreg:$0x1] =	wrdreg $0xFFFFFFFF  }
0xc2: {  	_ =	task.clear_ibuf [dreg:s7], $0x2FFFF;
	_ =	strace $0x9FFFFFFF  }
0xc3: {  	(tm) =	ssettm $0x7FFFFFFF  }
tec
execute0_lowered:
.L_overlay_start_1:
0x0: {  	(tag) =	ssettag $0x1  }
0x1: {  	s1 =	srdreg.scid;
	s2 =	rddreg [dreg:$0x0]  }
0x2: {  	s0 =	stileid.u32;
	s7 =	rddreg [dreg:$0x1]  }
0x3: {  	s3 =	rddreg [dreg:$0x2];
	s4 =	simm.s32 $0x0;
	s14 =	simm.s32 $0xED30  }
0x4: {  	s15 =	simm.s32 $0xC530;
	s16 =	simm.s32 $0x80;
	s17 =	simm.s32 $0xF130  }
0x5: {  	s18 =	simm.s32 $0xF530;
	s19 =	simm.s32 $0xF930;
	s20 =	simm.s32 $0xFD30  }
0x6: {  	s21 =	simm.s32 $0x10130;
	s22 =	simm.s32 $0x10530;
	s23 =	simm.s32 $0x10930  }
0x7: {  	s24 =	simm.s32 $0x0;
	s6 =	sand.u32 $0x1, s1;
	s29 =	sshll.u32 s0, $0x1  }
0x8: {  	s8 =	smul.u32 $0x1400, s0;
	[smem:$0x7FF] =	sst s4;
	s31 =	sshll.u32 s0, $0x6  }
0x9: {  	s1 =	sor.u32 s6, s29;
	s9 =	smul.u32 $0x14000, s6;
	s6 =	ssub.s32 $0x2, s6  }
0xa: {  	_ =	strace $0x80000047;
	s5 =	smul.u32 $0x500, s1;
	s30 =	sshrl.u32 s6, $0x1  }
0xb: {  	s13 =	sadd.s32 s8, s3;
	s9 =	sadd.s32 s8, s9;
	s12 =	ssub.s32 s6, s30  }
0xc: {  	s6 =	sor.u32 $0x1C01, s31;
	s10 =	sadd.s32 s5, s7;
	s9 =	sshrl.u32 s9, $0x3  }
0xd: {  	s5 =	sadd.s32 $0x1F600, s7;
	s11 =	sadd.s32 s9, s7;
	s7 =	sadd.s32 $0xB600, s10  }
0xe: {  	v0 =	vlaneseq.u32;
	s8 =	sadd.s32 $0x15600, s10;
	s9 =	sadd.s32 $0x1600, s10;
	s10 =	sadd.s32 $0x1FA00, s11  }
0xf: {  	v1 =	vimm.f32 $1.000000000e+00;
	v0 =	vmul.u32 $0x8, v0;
	s11 =	smax.u32 s12, $0x1;
	s12 =	sshrl.u32 s13, $0x3;
	s13 =	simm.s32 $0x1  }
.LBB2_1:
0x10: {  	[spmem:s12], [sflag:s6] =	dma.local [hbm:s5], $0x280  }
0x11: {  	_ =	swait.ge [sflag:s13], $0x280  }
0x12: {  	[sflag:s13] =	ssyncset.done $0x0  }
0x13: {  	[sflag:s13] =	ssyncadd.s32 $0xFFFFFD80  }
0x14: {  	[tilespmem:s14], [sflag:$0x1] =	stream.linear.gather [hbm4b:s5+s4], $0x2000, $0x38;
	[tilespmem:$0x12130] =	vst v63  }
0x15: {  	_ =	swait.ge [sflag:s13], $0x2000  }
0x16: {  	[sflag:s13] =	ssyncset.done $0x0  }
0x17: {  	[sflag:s13] =	ssyncadd.s32 $0xFFFFE000  }
0x18: {  	[tilespmem:s4], [sflag:$0x1] =	stream.linear.gather [hbm4b:s2+s4], $0x7530, $0x38;
	[tilespmem:$0x12130] =	vst v63  }
0x19: {  	_ =	swait.ge [sflag:s13], $0x7530  }
0x1a: {  	[sflag:s13] =	ssyncset.done $0x0  }
0x1b: {  	s25 =	simm.s32 $0x7530;
	[sflag:s13] =	ssyncadd.s32 $0xFFFF8AD0  }
0x1c: {  	[tilespmem:s25], [sflag:$0x1] =	stream.linear.gather [hbm4b:s7+s4], $0x2800, $0x38;
	[tilespmem:$0x12130] =	vst v63  }
0x1d: {  	_ =	swait.ge [sflag:s13], $0x2800  }
0x1e: {  	[sflag:s13] =	ssyncset.done $0x0  }
0x1f: {  	s26 =	simm.s32 $0x9D30;
	[sflag:s13] =	ssyncadd.s32 $0xFFFFD800  }
0x20: {  	[tilespmem:s26], [sflag:$0x1] =	stream.linear.gather [hbm4b:s8+s4], $0x2800, $0x38;
	[tilespmem:$0x12130] =	vst v63  }
0x21: {  	_ =	swait.ge [sflag:s13], $0x2800  }
0x22: {  	[sflag:s13] =	ssyncset.done $0x0  }
0x23: {  	[sflag:s13] =	ssyncadd.s32 $0xFFFFD800  }
0x24: {  	[tilespmem:s15], [sflag:$0x1] =	stream.linear.gather [hbm4b:s9+s4], $0x2800, $0x38;
	[tilespmem:$0x12130] =	vst v63  }
0x25: {  	_ =	swait.ge [sflag:s13], $0x2800  }
0x26: {  	[sflag:s13] =	ssyncset.done $0x0  }
0x27: {  	[sflag:s13] =	ssyncadd.s32 $0xFFFFD800  }
0x28: {  	s28 =	simm.s32 $0x0;
	[bflag:$0x0] =	sbarrier.arrive $0xFFFF  }
.LBB2_2:
0x29: {  	v2 =	vld [tilespmem:s25+$0x0];
	_ =	sdelay $0x4  }
0x2a: {  	v3 =	vadd.s32 $0x2710, v2  }
0x2b: {  	v4 =	vadd.s32 $0x4E20, v2;
	_ =	sdelay $0x1  }
0x2c: {  	s29 =	simm.s32 $0x0;
	v5 =	vld [tilespmem:s26+$0x0]  }
0x2d: {  	v6 =	vmov s29;
	v2 =	vld.idx.msk [tilespmem:v2+s4+$0x0], $0xffff  }
0x2e: {  	v6 =	vshll.u32 v6, $0x3;
	v3 =	vld.idx.msk [tilespmem:v3+s4+$0x0], $0xffff  }
0x2f: {  	v6 =	vor.u32 v0, v6;
	v4 =	vld.idx.msk [tilespmem:v4+s4+$0x0], $0xffff  }
0x30: {  	v7 =	vor.u32 $0x1, v6  }
0x31: {  	v8 =	vor.u32 $0x2, v6  }
0x32: {  	v2 =	vmul.f32 v2, v5  }
0x33: {  	v3 =	vmul.f32 v3, v5  }
0x34: {  	[tilespmem:v6+s14+$0x0] =	vst.idx.msk $0xffff, v2;
	v2 =	vmul.f32 v4, v5  }
0x35: {  	v9 =	vor.u32 $0x3, v6;
	[tilespmem:v7+s14+$0x0] =	vst.idx.msk $0xffff, v3  }
0x36: {  	[tilespmem:v8+s14+$0x0] =	vst.idx.msk $0xffff, v2;
	v2 =	vor.u32 $0x4, v6;
	_ =	sdelay $0x3  }
0x37: {  	s30 =	smov.u32 s25;
	s31 =	smov.u32 s26;
	s29 =	simm.s32 $0x10;
	[tilespmem:v9+s14+$0x0] =	vst.idx.msk $0xffff, v5  }
.LBB2_3:
0x38: {  	p0 =	seq.s32 s29, $0x3F0;
	[tilespmem:v2+s14+$0x0] =	vst.idx.msk $0xffff, v1;
	s30 =	sadd.s32 $0x10, s30;
	s31 =	sadd.s32 $0x10, s31  }
0x39: {  	s1 =	smov.u32 s29;
	s29 =	sadd.s32 $0x10, s29;
	v2 =	vld [tilespmem:s30+$0x0];
	_ =	sdelay $0x4  }
0x3a: {  	v3 =	vadd.s32 $0x2710, v2;
	v4 =	vadd.s32 $0x4E20, v2;
	_ =	sdelay $0x2  }
0x3b: {  	v5 =	vld [tilespmem:s31+$0x0]  }
0x3c: {  	v2 =	vld.idx.msk [tilespmem:v2+s4+$0x0], $0xffff  }
0x3d: {  	v6 =	vmov s1;
	v3 =	vld.idx.msk [tilespmem:v3+s4+$0x0], $0xffff  }
0x3e: {  	v6 =	vshll.u32 v6, $0x3;
	v4 =	vld.idx.msk [tilespmem:v4+s4+$0x0], $0xffff  }
0x3f: {  	v6 =	vor.u32 v0, v6  }
0x40: {  	v7 =	vor.u32 $0x1, v6  }
0x41: {  	v8 =	vor.u32 $0x2, v6  }
0x42: {  	v10 =	vor.u32 $0x3, v6;
	v9 =	vmul.f32 v2, v5  }
.Ltmp0:
0x43: {  	v2 =	vor.u32 $0x4, v6;
	v3 =	vmul.f32 v3, v5;
	(pc) =	sbr.rel @!p0 .LBB2_3-.Ltmp0, $4  }
0x44: {  	v4 =	vmul.f32 v4, v5;
	[tilespmem:v6+s14+$0x0] =	vst.idx.msk $0xffff, v9  }
0x45: {  	[tilespmem:v7+s14+$0x0] =	vst.idx.msk $0xffff, v3  }
0x46: {  	[tilespmem:v8+s14+$0x0] =	vst.idx.msk $0xffff, v4  }
0x47: {  	[tilespmem:v10+s14+$0x0] =	vst.idx.msk $0xffff, v5  }
0x48: {  	_ =	sdelay $0x1  }
0x49: {  	s29 =	sshll.u32 s28, $0xA  }
0x4a: {  	s29 =	sand.u32 $0x3FFFFC00, s29  }
0x4b: {  	[tilespmem:v2+s14+$0x0] =	vst.idx.msk $0xffff, v1;
	s30 =	sadd.s32 $0xC530, s29  }
0x4c: {  	[spmem:s3] =	stream.indirect.scatter.add.f32 [tilespmem:s14], [sflag:$0x1], $0x8, s30, s16, $0xb8;
	[tilespmem:$0x12130] =	vst v63  }
0x4d: {  	_ =	swait.ge [sflag:s13], $0x400  }
0x4e: {  	[sflag:s13] =	ssyncset.done $0x0  }
0x4f: {  	s1 =	sadd.s32 $0xC5B0, s29;
	[sflag:s13] =	ssyncadd.s32 $0xFFFFFC00  }
0x50: {  	[spmem:s3] =	stream.indirect.scatter.add.f32 [tilespmem:s17], [sflag:$0x1], $0x8, s1, s16, $0xb8;
	[tilespmem:$0x12130] =	vst v63  }
0x51: {  	_ =	swait.ge [sflag:s13], $0x400  }
0x52: {  	[sflag:s13] =	ssyncset.done $0x0  }
0x53: {  	s31 =	sadd.s32 $0xC630, s29;
	[sflag:s13] =	ssyncadd.s32 $0xFFFFFC00  }
0x54: {  	[spmem:s3] =	stream.indirect.scatter.add.f32 [tilespmem:s18], [sflag:$0x1], $0x8, s31, s16, $0xb8;
	[tilespmem:$0x12130] =	vst v63  }
0x55: {  	_ =	swait.ge [sflag:s13], $0x400  }
0x56: {  	[sflag:s13] =	ssyncset.done $0x0  }
0x57: {  	s1 =	sadd.s32 $0xC6B0, s29;
	[sflag:s13] =	ssyncadd.s32 $0xFFFFFC00  }
0x58: {  	[spmem:s3] =	stream.indirect.scatter.add.f32 [tilespmem:s19], [sflag:$0x1], $0x8, s1, s16, $0xb8;
	[tilespmem:$0x12130] =	vst v63  }
0x59: {  	_ =	swait.ge [sflag:s13], $0x400  }
0x5a: {  	[sflag:s13] =	ssyncset.done $0x0  }
0x5b: {  	s31 =	sadd.s32 $0xC730, s29;
	[sflag:s13] =	ssyncadd.s32 $0xFFFFFC00  }
0x5c: {  	[spmem:s3] =	stream.indirect.scatter.add.f32 [tilespmem:s20], [sflag:$0x1], $0x8, s31, s16, $0xb8;
	[tilespmem:$0x12130] =	vst v63  }
0x5d: {  	_ =	swait.ge [sflag:s13], $0x400  }
0x5e: {  	[sflag:s13] =	ssyncset.done $0x0  }
0x5f: {  	s1 =	sadd.s32 $0xC7B0, s29;
	[sflag:s13] =	ssyncadd.s32 $0xFFFFFC00  }
0x60: {  	[spmem:s3] =	stream.indirect.scatter.add.f32 [tilespmem:s21], [sflag:$0x1], $0x8, s1, s16, $0xb8;
	[tilespmem:$0x12130] =	vst v63  }
0x61: {  	_ =	swait.ge [sflag:s13], $0x400  }
0x62: {  	[sflag:s13] =	ssyncset.done $0x0  }
0x63: {  	s31 =	sadd.s32 $0xC830, s29;
	[sflag:s13] =	ssyncadd.s32 $0xFFFFFC00  }
0x64: {  	[spmem:s3] =	stream.indirect.scatter.add.f32 [tilespmem:s22], [sflag:$0x1], $0x8, s31, s16, $0xb8;
	[tilespmem:$0x12130] =	vst v63  }
0x65: {  	s28 =	sadd.s32 $0x1, s28;
	_ =	swait.ge [sflag:s13], $0x400  }
0x66: {  	p0 =	seq.s32 s28, $0xA;
	[sflag:s13] =	ssyncset.done $0x0  }
.Ltmp1:
0x67: {  	s29 =	sadd.s32 $0xC8B0, s29;
	[sflag:s13] =	ssyncadd.s32 $0xFFFFFC00;
	(pc) =	sbr.rel @!p0 .LBB2_2-.Ltmp1, $4  }
0x68: {  	[spmem:s3] =	stream.indirect.scatter.add.f32 [tilespmem:s23], [sflag:$0x1], $0x8, s29, s16, $0xb8;
	[tilespmem:$0x12130] =	vst v63  }
0x69: {  	_ =	swait.ge [sflag:s13], $0x400  }
0x6a: {  	[sflag:s13] =	ssyncset.done $0x0  }
0x6b: {  	s25 =	sadd.s32 $0x400, s25;
	s26 =	sadd.s32 $0x400, s26;
	[sflag:s13] =	ssyncadd.s32 $0xFFFFFC00  }
0x6c: {  	s24 =	sadd.s32 $0x1, s24  }
0x6d: {  	p0 =	sne.s32 s24, s11  }
.Ltmp2:
0x6e: {  	[bflag:$0x0] =	sbarrier.arrive $0xFFFF;
	(pc) =	sbr.rel @p0 .LBB2_1-.Ltmp2, $4  }
0x6f: {  	[hbm:s10], [sflag:s6] =	dma.local [spmem:s12], $0x280  }
0x70: {  	_ =	swait.ge [sflag:s13], $0x280  }
0x71: {  	[sflag:s13] =	ssyncset.done $0x0  }
0x72: {  	[sflag:s13] =	ssyncadd.s32 $0xFFFFFD80  }
0x73: {  	_ =	sfence.sel $0x180000  }
0x74: {  	[bflag:$0x0] =	sbarrier.arrive $0xFFFF  }
0x75: {  	_ =	strace $0x90000047  }
0x76: {  	[bflag:$0x2] =	sbarrier.arrive $0xFFFF  }
0x77: {  	p0 =	sne.s32 s0, $0x0;
	s0 =	rddreg [dreg:$0x3]  }
0x78: {  	s0 =	sadd.s32 @!p0 $0x100000, s0  }
0x79: {  	[sflag:s0] =	ssyncadd.tile.s32 @!p0 $0x1;
	_ =	shalt  }
.Lfunc_end2:
_tile_overlayer_lowered:
.L_overlay_start_2:
0x7a: {  	(tag) =	ssettag $0x2  }
0x7b: {  	s0 =	rddreg [dreg:$0x0];
	s2 =	stileid.u32  }
0x7c: {  	s1 =	rddreg [dreg:$0x1];
	p0 =	sne.s32 s2, $0x0  }
0x7d: {  	s3 =	rddreg [dreg:$0x2];
	[bflag:$0x3] =	sbarrier.arrive $0xFFFF;
	s2 =	simm.s32 @!p0 $0x1C01  }
0x7e: {  	[timem:s3], [sflag:s2] =	dma.local @!p0 [hbm:s0], s1  }
0x7f: {  	s0 =	simm.s32 @!p0 $0x1  }
0x80: {  	_ =	swait.ge @!p0 [sflag:s0], s1  }
0x81: {  	s1 =	ssub.s32 @!p0 $0x0, s1;
	[sflag:s0] =	ssyncset.done @!p0 $0x0  }
0x82: {  	[sflag:s0] =	ssyncadd.s32 @!p0 s1  }
0x83: {  	[bflag:$0x3] =	sbarrier.arrive $0xFFFF  }
0x84: {  	_ =	shalt  }

</sc_bundles>
